<compile_context>
chip_gen: v7x
topology: tpu7x:2x2x1
jax: 0.10.2.dev20260603
libtpu: 0.0.44.dev20260713+nightly
codegen_flags: <defaults>
</compile_context>

<pallas_src>
import functools

import jax
import jax.numpy as jnp
from jax import lax
from jax.experimental import pallas as pl
from jax.experimental.pallas import tpu as pltpu
from jax.experimental.pallas import tpu_sc as plsc

N = 10000
D = 128
E = 320000

NUM_CORES = 2
NUM_SUBCORES = 16
NUM_WORKERS = NUM_CORES * NUM_SUBCORES

CHUNK = 128
CH0 = 93
CH1 = 64
E_PAD = NUM_SUBCORES * (CH0 + CH1) * CHUNK

AGG_ROWS = 10240
ZROWS = AGG_ROWS // NUM_SUBCORES
ZBLK = 128
DUMMY_DST = N + 8



def _mm_body(h_ref, norm_ref, w_ref, b_ref, out_ref):
    acc = jnp.dot(h_ref[...], w_ref[...], preferred_element_type=jnp.float32)
    out_ref[...] = (acc + b_ref[...]) * norm_ref[...]


def _linear(h, norm, W, b):
    blk = 1000
    grid = N // blk
    return pl.pallas_call(
        _mm_body,
        grid=(grid,),
        in_specs=[
            pl.BlockSpec((blk, D), lambda i: (i, 0)),
            pl.BlockSpec((blk, 1), lambda i: (i, 0)),
            pl.BlockSpec((D, D), lambda i: (0, 0)),
            pl.BlockSpec((1, D), lambda i: (0, 0)),
        ],
        out_specs=pl.BlockSpec((blk, D), lambda i: (i, 0)),
        out_shape=jax.ShapeDtypeStruct((N, D), jnp.float32),
    )(h, norm, W, b.reshape(1, D))



def _sc_agg_body(hh_hbm, src_hbm, dst_hbm, zeros_hbm, out_hbm,
                 sidx_v, didx_v, rows_v, agg_s, sg):
    c = lax.axis_index("c")
    s = lax.axis_index("s")
    base = jnp.where(c == 0, s * CH0,
                     NUM_SUBCORES * CH0 + s * CH1) * CHUNK
    nch = jnp.where(c == 0, CH0, CH1)

    def zero_body(k, carry):
        pltpu.sync_copy(zeros_hbm, agg_s.at[pl.ds(s * ZROWS + k * ZBLK, ZBLK)])
        return carry
    lax.fori_loop(0, ZROWS // ZBLK, zero_body, 0)
    plsc.subcore_barrier()

    def edge_body(j, carry):
        off = base + j * CHUNK
        pltpu.sync_copy(src_hbm.at[pl.ds(off, CHUNK)], sidx_v)
        pltpu.sync_copy(dst_hbm.at[pl.ds(off, CHUNK)], didx_v)
        pltpu.async_copy(hh_hbm.at[sidx_v], rows_v, sg).wait()
        pltpu.sync_copy(rows_v, agg_s.at[didx_v], add=True)
        return carry
    lax.fori_loop(0, nch, edge_body, 0)
    plsc.subcore_barrier()

    r0 = s * ZROWS
    pltpu.sync_copy(agg_s.at[pl.ds(r0, ZROWS)],
                    out_hbm.at[c].at[pl.ds(r0, ZROWS)])


_sc_agg = functools.partial(
    pl.kernel,
    out_type=jax.ShapeDtypeStruct((NUM_CORES, AGG_ROWS, D), jnp.float32),
    mesh=plsc.VectorSubcoreMesh(core_axis_name="c", subcore_axis_name="s"),
    scratch_types=[
        pltpu.VMEM((CHUNK,), jnp.int32),
        pltpu.VMEM((CHUNK,), jnp.int32),
        pltpu.VMEM((CHUNK, D), jnp.float32),
        pltpu.VMEM_SHARED((AGG_ROWS, D), jnp.float32),
        pltpu.SemaphoreType.DMA,
    ],
)(_sc_agg_body)



def _comb_body(p_ref, norm_ref, o_ref):
    o_ref[...] = (p_ref[0] + p_ref[1]) * norm_ref[...]


def _combine(partials, norm):
    blk = 1000
    grid = N // blk
    return pl.pallas_call(
        _comb_body,
        grid=(grid,),
        in_specs=[
            pl.BlockSpec((NUM_CORES, blk, D), lambda i: (0, i, 0)),
            pl.BlockSpec((blk, 1), lambda i: (i, 0)),
        ],
        out_specs=pl.BlockSpec((blk, D), lambda i: (i, 0)),
        out_shape=jax.ShapeDtypeStruct((N, D), jnp.float32),
    )(partials, norm)


def kernel(h, norm, W, b, edge_index):
    hh = _linear(h, norm, W, b)

    src = edge_index[0].astype(jnp.int32)
    dst = edge_index[1].astype(jnp.int32)
    pad = E_PAD - E
    src = jnp.concatenate([src, jnp.zeros((pad,), jnp.int32)])
    dst = jnp.concatenate([dst, jnp.full((pad,), DUMMY_DST, jnp.int32)])
    zeros = jnp.zeros((ZBLK, D), jnp.float32)

    partials = _sc_agg(hh, src, dst, zeros)
    return _combine(partials, norm)

# --- scband reference (transcript-rebuilt; emitter-appended) ---
"""Pipeline reference for scband-gcnlayer-42296837931707 (READ-ONLY COPY).

The authoritative reference and input builder live on the scoring server;
editing this copy changes nothing except your own understanding.
"""

import jax, jax.numpy as jnp
import numpy as np

N = 10000
E = 320000
D_IN = 128
D_OUT = 128

def setup_inputs(seed: int = 0) -> dict:
    key = jax.random.key(seed)
    k1, k2, k3, k4 = jax.random.split(key, 4)
    h = jax.random.normal(k1, (N, D_IN), dtype=jnp.float32)
    norm = jax.random.uniform(k2, (N, 1), dtype=jnp.float32)
    edge_index = jax.random.randint(k3, (2, E), 0, N).astype(jnp.int64)
    W = jax.random.normal(k4, (D_IN, D_OUT), dtype=jnp.float32) / np.sqrt(D_IN)
    b = jnp.zeros((D_OUT,), dtype=jnp.float32)
    return {"h": h, "norm": norm, "W": W, "b": b, "edge_index": edge_index}

def reference(h, norm, W, b, edge_index):
    # linear: h = h @ W + b  (dropout disabled)
    hh = h @ W + b
    # pre-normalize: g.ndata['h'] = norm * h
    hh = norm * hh
    # message passing: copy_src + sum reduce (gather from src, scatter-add to dst)
    src = edge_index[0]
    dst = edge_index[1]
    m = jnp.take(hh, src, axis=0)
    agg = jax.ops.segment_sum(m, dst, num_segments=N)
    # post-normalize: h = h * norm
    return agg * norm

if __name__ == "__main__":
    import jax
    _d = setup_inputs()
    print(jax.jit(kernel)(*tuple(_d.values())))

</pallas_src>

<mosaic_0001>
#map = affine_map<(d0, d1) -> (0, 0)>
#map1 = affine_map<(d0, d1) -> (0)>
#map2 = affine_map<(d0, d1) -> (0, 0, 0)>
module attributes {stable_mosaic.version = 14 : i64} {
  func.func @_sc_agg_body(%arg0: i32, %arg1: i32, %arg2: memref<10000x128xf32, #tpu.memory_space<hbm>>, %arg3: memref<321536xi32, #tpu.memory_space<hbm>>, %arg4: memref<321536xi32, #tpu.memory_space<hbm>>, %arg5: memref<128x128xf32, #tpu.memory_space<hbm>>, %arg6: memref<2x10240x128xf32, #tpu.memory_space<hbm>>, %arg7: memref<128xi32, #tpu.memory_space<vmem>>, %arg8: memref<128xi32, #tpu.memory_space<vmem>>, %arg9: memref<128x128xf32, #tpu.memory_space<vmem>>, %arg10: memref<10240x128xf32, #tpu.memory_space<vmem_shared>>, %arg11: memref<!tpu.dma_semaphore, #tpu.memory_space<semaphore_mem>>) attributes {dimension_semantics = [#tpu.dimension_semantics<core_parallel>, #tpu.dimension_semantics<subcore_parallel>], iteration_bounds = array<i64: 2, 16>, scalar_prefetch = 0 : i64, scratch_operands = 5 : i64, tpu.core_type = #tpu.core_type<sc_vector_subcore>, window_params = [{transform_indices = #map}, {transform_indices = #map1}, {transform_indices = #map1}, {transform_indices = #map}, {transform_indices = #map2}]} {
    %eq3A = arith.constant 0 : i32
    %eq3A_0 = arith.cmpi eq, %arg0, %eq3A : i32
    %mul3A = arith.constant 93 : i32
    %mul3A_1 = arith.muli %arg1, %mul3A : i32
    %mul3A_2 = arith.constant 64 : i32
    %mul3A_3 = arith.muli %arg1, %mul3A_2 : i32
    %add3A = arith.constant 1488 : i32
    %add3A_4 = arith.addi %add3A, %mul3A_3 : i32
    %select_n3A = arith.select %eq3A_0, %mul3A_1, %add3A_4 : i32
    %mul3A_5 = arith.constant 128 : i32
    %mul3A_6 = arith.muli %select_n3A, %mul3A_5 : i32
    %eq3A_7 = arith.constant 0 : i32
    %eq3A_8 = arith.cmpi eq, %arg0, %eq3A_7 : i32
    %jit3A = arith.constant 93 : i32
    %jit3A_9 = arith.constant 64 : i32
    %select_n3A_10 = arith.select %eq3A_8, %jit3A, %jit3A_9 : i32
    %scan3A = arith.constant 0 : i32
    %scan3A_11 = arith.constant 0 : i32
    %scan3A_12 = arith.constant 5 : i32
    %scan3A_13 = arith.addi %scan3A_11, %scan3A_12 : i32
    %scan3A_14 = arith.constant 1 : i32
    scf.for %scan3A_28 = %scan3A_11 to %scan3A_13 step %scan3A_14  : i32 {
      %mul3A_29 = arith.constant 640 : i32
      %mul3A_30 = arith.muli %arg1, %mul3A_29 : i32
      %mul3A_31 = arith.constant 128 : i32
      %mul3A_32 = arith.muli %scan3A_28, %mul3A_31 : i32
      %add3A_33 = arith.addi %mul3A_30, %mul3A_32 : i32
      "tpu.region"() ({
        %run_scoped3A = tpu.sem_alloc : memref<!tpu.dma_semaphore, #tpu.memory_space<semaphore_mem>>
        %dma_start3A = arith.constant 0 : i32
        %dma_start3A_34 = tpu.memref_slice %arg10[%add3A_33, %dma_start3A] : memref<10240x128xf32, #tpu.memory_space<vmem_shared>> -> memref<128x128xf32, #tpu.memory_space<vmem_shared>>
        tpu.enqueue_dma source(%arg5 : memref<128x128xf32, #tpu.memory_space<hbm>>) target(%dma_start3A_34 : memref<128x128xf32, #tpu.memory_space<vmem_shared>>) target_semaphore(%run_scoped3A : memref<!tpu.dma_semaphore, #tpu.memory_space<semaphore_mem>>)
        %dma_wait3A = arith.constant 0 : i32
        %dma_wait3A_35 = tpu.memref_slice %arg10[%add3A_33, %dma_wait3A] : memref<10240x128xf32, #tpu.memory_space<vmem_shared>> -> memref<128x128xf32, #tpu.memory_space<vmem_shared>>
        tpu.wait_dma2 semaphore(%run_scoped3A : memref<!tpu.dma_semaphore, #tpu.memory_space<semaphore_mem>>) src(%arg5 : memref<128x128xf32, #tpu.memory_space<hbm>>) dst(%dma_wait3A_35 : memref<128x128xf32, #tpu.memory_space<vmem_shared>>)
        tpu.yield
      }) : () -> ()
    }
    %scan3A_15 = arith.constant 5 : i32
    %barrier3A = arith.constant 0 : index
    tpu.barrier barrier_id(%barrier3A)
    %while3A = arith.constant 0 : i32
    %while3A_16 = arith.constant 0 : i32
    %while3A_17 = arith.subi %select_n3A_10, %while3A_16 : i32
    %while3A_18 = arith.addi %while3A_16, %while3A_17 : i32
    %while3A_19 = arith.constant 1 : i32
    %while3A_20 = arith.divsi %while3A_17, %while3A_19 : i32
    %while3A_21 = arith.muli %while3A_20, %while3A_19 : i32
    %while3A_22 = arith.addi %while3A_16, %while3A_21 : i32
    %while3A_23 = arith.constant 1 : i32
    scf.for %while3A_28 = %while3A_16 to %while3A_22 step %while3A_23  : i32 {
      %mul3A_29 = arith.constant 128 : i32
      %mul3A_30 = arith.muli %while3A_28, %mul3A_29 : i32
      %add3A_31 = arith.addi %mul3A_6, %mul3A_30 : i32
      "tpu.region"() ({
        %run_scoped3A = tpu.sem_alloc : memref<!tpu.dma_semaphore, #tpu.memory_space<semaphore_mem>>
        %dma_start3A_36 = tpu.memref_slice %arg3[%add3A_31] : memref<321536xi32, #tpu.memory_space<hbm>> -> memref<128xi32, #tpu.memory_space<hbm>>
        %dma_start3A_37 = tpu.memref_slice %arg3[%add3A_31] : memref<321536xi32, #tpu.memory_space<hbm>> -> memref<128xi32, #tpu.memory_space<hbm>>
        tpu.enqueue_dma source(%dma_start3A_37 : memref<128xi32, #tpu.memory_space<hbm>>) target(%arg7 : memref<128xi32, #tpu.memory_space<vmem>>) target_semaphore(%run_scoped3A : memref<!tpu.dma_semaphore, #tpu.memory_space<semaphore_mem>>)
        %dma_wait3A_38 = tpu.memref_slice %arg3[%add3A_31] : memref<321536xi32, #tpu.memory_space<hbm>> -> memref<128xi32, #tpu.memory_space<hbm>>
        %dma_wait3A_39 = tpu.memref_slice %arg3[%add3A_31] : memref<321536xi32, #tpu.memory_space<hbm>> -> memref<128xi32, #tpu.memory_space<hbm>>
        tpu.wait_dma2 semaphore(%run_scoped3A : memref<!tpu.dma_semaphore, #tpu.memory_space<semaphore_mem>>) src(%dma_wait3A_39 : memref<128xi32, #tpu.memory_space<hbm>>) dst(%arg7 : memref<128xi32, #tpu.memory_space<vmem>>)
        tpu.yield
      }) : () -> ()
      "tpu.region"() ({
        %run_scoped3A = tpu.sem_alloc : memref<!tpu.dma_semaphore, #tpu.memory_space<semaphore_mem>>
        %dma_start3A_36 = tpu.memref_slice %arg4[%add3A_31] : memref<321536xi32, #tpu.memory_space<hbm>> -> memref<128xi32, #tpu.memory_space<hbm>>
        %dma_start3A_37 = tpu.memref_slice %arg4[%add3A_31] : memref<321536xi32, #tpu.memory_space<hbm>> -> memref<128xi32, #tpu.memory_space<hbm>>
        tpu.enqueue_dma source(%dma_start3A_37 : memref<128xi32, #tpu.memory_space<hbm>>) target(%arg8 : memref<128xi32, #tpu.memory_space<vmem>>) target_semaphore(%run_scoped3A : memref<!tpu.dma_semaphore, #tpu.memory_space<semaphore_mem>>)
        %dma_wait3A_38 = tpu.memref_slice %arg4[%add3A_31] : memref<321536xi32, #tpu.memory_space<hbm>> -> memref<128xi32, #tpu.memory_space<hbm>>
        %dma_wait3A_39 = tpu.memref_slice %arg4[%add3A_31] : memref<321536xi32, #tpu.memory_space<hbm>> -> memref<128xi32, #tpu.memory_space<hbm>>
        tpu.wait_dma2 semaphore(%run_scoped3A : memref<!tpu.dma_semaphore, #tpu.memory_space<semaphore_mem>>) src(%dma_wait3A_39 : memref<128xi32, #tpu.memory_space<hbm>>) dst(%arg8 : memref<128xi32, #tpu.memory_space<vmem>>)
        tpu.yield
      }) : () -> ()
      %dma_start3A = arith.constant 0 : i32
      %dma_start3A_32 = arith.constant 0 : i32
      %dma_start3A_33 = tpu.memref_slice %arg2[%dma_start3A, %dma_start3A_32] : memref<10000x128xf32, #tpu.memory_space<hbm>> -> memref<10000x128xf32, #tpu.memory_space<hbm>>
      tpu.enqueue_indirect_dma source(%dma_start3A_33 : memref<10000x128xf32, #tpu.memory_space<hbm>>) target(%arg9 : memref<128x128xf32, #tpu.memory_space<vmem>>) offsets(%arg7 : memref<128xi32, #tpu.memory_space<vmem>>) semaphore(%arg11 : memref<!tpu.dma_semaphore, #tpu.memory_space<semaphore_mem>>)
      %dma_wait3A = arith.constant 0 : i32
      %dma_wait3A_34 = arith.constant 0 : i32
      %dma_wait3A_35 = tpu.memref_slice %arg2[%dma_wait3A, %dma_wait3A_34] : memref<10000x128xf32, #tpu.memory_space<hbm>> -> memref<10000x128xf32, #tpu.memory_space<hbm>>
      tpu.wait_indirect_dma semaphore(%arg11 : memref<!tpu.dma_semaphore, #tpu.memory_space<semaphore_mem>>) src(%dma_wait3A_35 : memref<10000x128xf32, #tpu.memory_space<hbm>>) dst(%arg9 : memref<128x128xf32, #tpu.memory_space<vmem>>)
      "tpu.region"() ({
        %run_scoped3A = tpu.sem_alloc : memref<!tpu.dma_semaphore, #tpu.memory_space<semaphore_mem>>
        %dma_start3A_36 = arith.constant 0 : i32
        %dma_start3A_37 = arith.constant 0 : i32
        %dma_start3A_38 = tpu.memref_slice %arg10[%dma_start3A_36, %dma_start3A_37] : memref<10240x128xf32, #tpu.memory_space<vmem_shared>> -> memref<10240x128xf32, #tpu.memory_space<vmem_shared>>
        tpu.enqueue_indirect_dma source(%arg9 : memref<128x128xf32, #tpu.memory_space<vmem>>) target(%dma_start3A_38 : memref<10240x128xf32, #tpu.memory_space<vmem_shared>>) offsets(%arg8 : memref<128xi32, #tpu.memory_space<vmem>>) semaphore(%run_scoped3A : memref<!tpu.dma_semaphore, #tpu.memory_space<semaphore_mem>>) {add = true}
        %dma_wait3A_39 = arith.constant 0 : i32
        %dma_wait3A_40 = arith.constant 0 : i32
        %dma_wait3A_41 = tpu.memref_slice %arg10[%dma_wait3A_39, %dma_wait3A_40] : memref<10240x128xf32, #tpu.memory_space<vmem_shared>> -> memref<10240x128xf32, #tpu.memory_space<vmem_shared>>
        tpu.wait_indirect_dma semaphore(%run_scoped3A : memref<!tpu.dma_semaphore, #tpu.memory_space<semaphore_mem>>) src(%arg9 : memref<128x128xf32, #tpu.memory_space<vmem>>) dst(%dma_wait3A_41 : memref<10240x128xf32, #tpu.memory_space<vmem_shared>>)
        tpu.yield
      }) : () -> ()
    }
    %while3A_24 = arith.constant 1 : i32
    scf.for %while3A_28 = %while3A_22 to %while3A_18 step %while3A_24  : i32 {
      %mul3A_29 = arith.constant 128 : i32
      %mul3A_30 = arith.muli %while3A_28, %mul3A_29 : i32
      %add3A_31 = arith.addi %mul3A_6, %mul3A_30 : i32
      "tpu.region"() ({
        %run_scoped3A = tpu.sem_alloc : memref<!tpu.dma_semaphore, #tpu.memory_space<semaphore_mem>>
        %dma_start3A_36 = tpu.memref_slice %arg3[%add3A_31] : memref<321536xi32, #tpu.memory_space<hbm>> -> memref<128xi32, #tpu.memory_space<hbm>>
        %dma_start3A_37 = tpu.memref_slice %arg3[%add3A_31] : memref<321536xi32, #tpu.memory_space<hbm>> -> memref<128xi32, #tpu.memory_space<hbm>>
        tpu.enqueue_dma source(%dma_start3A_37 : memref<128xi32, #tpu.memory_space<hbm>>) target(%arg7 : memref<128xi32, #tpu.memory_space<vmem>>) target_semaphore(%run_scoped3A : memref<!tpu.dma_semaphore, #tpu.memory_space<semaphore_mem>>)
        %dma_wait3A_38 = tpu.memref_slice %arg3[%add3A_31] : memref<321536xi32, #tpu.memory_space<hbm>> -> memref<128xi32, #tpu.memory_space<hbm>>
        %dma_wait3A_39 = tpu.memref_slice %arg3[%add3A_31] : memref<321536xi32, #tpu.memory_space<hbm>> -> memref<128xi32, #tpu.memory_space<hbm>>
        tpu.wait_dma2 semaphore(%run_scoped3A : memref<!tpu.dma_semaphore, #tpu.memory_space<semaphore_mem>>) src(%dma_wait3A_39 : memref<128xi32, #tpu.memory_space<hbm>>) dst(%arg7 : memref<128xi32, #tpu.memory_space<vmem>>)
        tpu.yield
      }) : () -> ()
      "tpu.region"() ({
        %run_scoped3A = tpu.sem_alloc : memref<!tpu.dma_semaphore, #tpu.memory_space<semaphore_mem>>
        %dma_start3A_36 = tpu.memref_slice %arg4[%add3A_31] : memref<321536xi32, #tpu.memory_space<hbm>> -> memref<128xi32, #tpu.memory_space<hbm>>
        %dma_start3A_37 = tpu.memref_slice %arg4[%add3A_31] : memref<321536xi32, #tpu.memory_space<hbm>> -> memref<128xi32, #tpu.memory_space<hbm>>
        tpu.enqueue_dma source(%dma_start3A_37 : memref<128xi32, #tpu.memory_space<hbm>>) target(%arg8 : memref<128xi32, #tpu.memory_space<vmem>>) target_semaphore(%run_scoped3A : memref<!tpu.dma_semaphore, #tpu.memory_space<semaphore_mem>>)
        %dma_wait3A_38 = tpu.memref_slice %arg4[%add3A_31] : memref<321536xi32, #tpu.memory_space<hbm>> -> memref<128xi32, #tpu.memory_space<hbm>>
        %dma_wait3A_39 = tpu.memref_slice %arg4[%add3A_31] : memref<321536xi32, #tpu.memory_space<hbm>> -> memref<128xi32, #tpu.memory_space<hbm>>
        tpu.wait_dma2 semaphore(%run_scoped3A : memref<!tpu.dma_semaphore, #tpu.memory_space<semaphore_mem>>) src(%dma_wait3A_39 : memref<128xi32, #tpu.memory_space<hbm>>) dst(%arg8 : memref<128xi32, #tpu.memory_space<vmem>>)
        tpu.yield
      }) : () -> ()
      %dma_start3A = arith.constant 0 : i32
      %dma_start3A_32 = arith.constant 0 : i32
      %dma_start3A_33 = tpu.memref_slice %arg2[%dma_start3A, %dma_start3A_32] : memref<10000x128xf32, #tpu.memory_space<hbm>> -> memref<10000x128xf32, #tpu.memory_space<hbm>>
      tpu.enqueue_indirect_dma source(%dma_start3A_33 : memref<10000x128xf32, #tpu.memory_space<hbm>>) target(%arg9 : memref<128x128xf32, #tpu.memory_space<vmem>>) offsets(%arg7 : memref<128xi32, #tpu.memory_space<vmem>>) semaphore(%arg11 : memref<!tpu.dma_semaphore, #tpu.memory_space<semaphore_mem>>)
      %dma_wait3A = arith.constant 0 : i32
      %dma_wait3A_34 = arith.constant 0 : i32
      %dma_wait3A_35 = tpu.memref_slice %arg2[%dma_wait3A, %dma_wait3A_34] : memref<10000x128xf32, #tpu.memory_space<hbm>> -> memref<10000x128xf32, #tpu.memory_space<hbm>>
      tpu.wait_indirect_dma semaphore(%arg11 : memref<!tpu.dma_semaphore, #tpu.memory_space<semaphore_mem>>) src(%dma_wait3A_35 : memref<10000x128xf32, #tpu.memory_space<hbm>>) dst(%arg9 : memref<128x128xf32, #tpu.memory_space<vmem>>)
      "tpu.region"() ({
        %run_scoped3A = tpu.sem_alloc : memref<!tpu.dma_semaphore, #tpu.memory_space<semaphore_mem>>
        %dma_start3A_36 = arith.constant 0 : i32
        %dma_start3A_37 = arith.constant 0 : i32
        %dma_start3A_38 = tpu.memref_slice %arg10[%dma_start3A_36, %dma_start3A_37] : memref<10240x128xf32, #tpu.memory_space<vmem_shared>> -> memref<10240x128xf32, #tpu.memory_space<vmem_shared>>
        tpu.enqueue_indirect_dma source(%arg9 : memref<128x128xf32, #tpu.memory_space<vmem>>) target(%dma_start3A_38 : memref<10240x128xf32, #tpu.memory_space<vmem_shared>>) offsets(%arg8 : memref<128xi32, #tpu.memory_space<vmem>>) semaphore(%run_scoped3A : memref<!tpu.dma_semaphore, #tpu.memory_space<semaphore_mem>>) {add = true}
        %dma_wait3A_39 = arith.constant 0 : i32
        %dma_wait3A_40 = arith.constant 0 : i32
        %dma_wait3A_41 = tpu.memref_slice %arg10[%dma_wait3A_39, %dma_wait3A_40] : memref<10240x128xf32, #tpu.memory_space<vmem_shared>> -> memref<10240x128xf32, #tpu.memory_space<vmem_shared>>
        tpu.wait_indirect_dma semaphore(%run_scoped3A : memref<!tpu.dma_semaphore, #tpu.memory_space<semaphore_mem>>) src(%arg9 : memref<128x128xf32, #tpu.memory_space<vmem>>) dst(%dma_wait3A_41 : memref<10240x128xf32, #tpu.memory_space<vmem_shared>>)
        tpu.yield
      }) : () -> ()
    }
    %barrier3A_25 = arith.constant 0 : index
    tpu.barrier barrier_id(%barrier3A_25)
    %mul3A_26 = arith.constant 640 : i32
    %mul3A_27 = arith.muli %arg1, %mul3A_26 : i32
    "tpu.region"() ({
      %run_scoped3A = tpu.sem_alloc : memref<!tpu.dma_semaphore, #tpu.memory_space<semaphore_mem>>
      %dma_start3A = arith.constant 0 : i32
      %dma_start3A_28 = arith.constant 0 : i32
      %dma_start3A_29 = tpu.memref_slice %arg6[%arg0, %dma_start3A, %dma_start3A_28] : memref<2x10240x128xf32, #tpu.memory_space<hbm>> -> memref<1x10240x128xf32, #tpu.memory_space<hbm>>
      %dma_start3A_30 = tpu.memref_squeeze %dma_start3A_29 : memref<1x10240x128xf32, #tpu.memory_space<hbm>> -> memref<10240x128xf32, #tpu.memory_space<hbm>>
      %dma_start3A_31 = arith.constant 0 : i32
      %dma_start3A_32 = tpu.memref_slice %dma_start3A_30[%mul3A_27, %dma_start3A_31] : memref<10240x128xf32, #tpu.memory_space<hbm>> -> memref<640x128xf32, #tpu.memory_space<hbm>>
      %dma_start3A_33 = arith.constant 0 : i32
      %dma_start3A_34 = tpu.memref_slice %arg10[%mul3A_27, %dma_start3A_33] : memref<10240x128xf32, #tpu.memory_space<vmem_shared>> -> memref<640x128xf32, #tpu.memory_space<vmem_shared>>
      tpu.enqueue_dma source(%dma_start3A_34 : memref<640x128xf32, #tpu.memory_space<vmem_shared>>) target(%dma_start3A_32 : memref<640x128xf32, #tpu.memory_space<hbm>>) target_semaphore(%run_scoped3A : memref<!tpu.dma_semaphore, #tpu.memory_space<semaphore_mem>>)
      %dma_wait3A = arith.constant 0 : i32
      %dma_wait3A_35 = arith.constant 0 : i32
      %dma_wait3A_36 = tpu.memref_slice %arg6[%arg0, %dma_wait3A, %dma_wait3A_35] : memref<2x10240x128xf32, #tpu.memory_space<hbm>> -> memref<1x10240x128xf32, #tpu.memory_space<hbm>>
      %dma_wait3A_37 = tpu.memref_squeeze %dma_wait3A_36 : memref<1x10240x128xf32, #tpu.memory_space<hbm>> -> memref<10240x128xf32, #tpu.memory_space<hbm>>
      %dma_wait3A_38 = arith.constant 0 : i32
      %dma_wait3A_39 = tpu.memref_slice %dma_wait3A_37[%mul3A_27, %dma_wait3A_38] : memref<10240x128xf32, #tpu.memory_space<hbm>> -> memref<640x128xf32, #tpu.memory_space<hbm>>
      %dma_wait3A_40 = arith.constant 0 : i32
      %dma_wait3A_41 = tpu.memref_slice %arg10[%mul3A_27, %dma_wait3A_40] : memref<10240x128xf32, #tpu.memory_space<vmem_shared>> -> memref<640x128xf32, #tpu.memory_space<vmem_shared>>
      tpu.wait_dma2 semaphore(%run_scoped3A : memref<!tpu.dma_semaphore, #tpu.memory_space<semaphore_mem>>) src(%dma_wait3A_41 : memref<640x128xf32, #tpu.memory_space<vmem_shared>>) dst(%dma_wait3A_39 : memref<640x128xf32, #tpu.memory_space<hbm>>)
      tpu.yield
    }) : () -> ()
    return
  }
}

module attributes {stable_mosaic.version = 14 : i64} {
  func.func @_mm_body(%arg0: i32, %arg1: memref<1000x128xf32, #tpu.memory_space<vmem>>, %arg2: memref<1000x1xf32, #tpu.memory_space<vmem>>, %arg3: memref<128x128xf32, #tpu.memory_space<vmem>>, %arg4: memref<1x128xf32, #tpu.memory_space<vmem>>, %arg5: memref<1000x128xf32, #tpu.memory_space<vmem>>) attributes {dimension_semantics = [#tpu.dimension_semantics<arbitrary>], iteration_bounds = array<i64: 10>, scalar_prefetch = 0 : i64, scratch_operands = 0 : i64, tpu.core_type = #tpu.core_type<tc>, window_params = [{transform_indices = @transform_0, window_bounds = array<i64: 1000, 128>}, {transform_indices = @transform_1, window_bounds = array<i64: 1000, 1>}, {pipeline_mode = #tpu.pipeline_mode<synchronous>, transform_indices = @transform_2, window_bounds = array<i64: 128, 128>}, {pipeline_mode = #tpu.pipeline_mode<synchronous>, transform_indices = @transform_3, window_bounds = array<i64: 1, 128>}, {transform_indices = @transform_4, window_bounds = array<i64: 1000, 128>}]} {
    %get3A = arith.constant 0 : index
    %get3A_0 = arith.constant 0 : index
    %get3A_1 = vector.load %arg1[%get3A, %get3A_0] : memref<1000x128xf32, #tpu.memory_space<vmem>>, vector<1000x128xf32>
    %get3A_2 = arith.constant 0 : index
    %get3A_3 = arith.constant 0 : index
    %get3A_4 = vector.load %arg3[%get3A_2, %get3A_3] : memref<128x128xf32, #tpu.memory_space<vmem>>, vector<128x128xf32>
    %dot_general3A = arith.constant dense<0.000000e+00> : vector<1000x128xf32>
    %dot_general3A_5 = tpu.matmul %get3A_1, %get3A_4, %dot_general3A {dimension_numbers = #tpu.dot_dimension_numbers<[1], [0], [0], [1], [0, 0, 1, 1], [], []>, transpose_lhs_hint = false} : vector<1000x128xf32>, vector<128x128xf32>, vector<1000x128xf32> -> vector<1000x128xf32>
    %get3A_6 = arith.constant 0 : index
    %get3A_7 = arith.constant 0 : index
    %get3A_8 = vector.load %arg4[%get3A_6, %get3A_7] : memref<1x128xf32, #tpu.memory_space<vmem>>, vector<1x128xf32>
    %add3A = vector.broadcast %get3A_8 : vector<1x128xf32> to vector<1000x128xf32>
    %add3A_9 = arith.addf %dot_general3A_5, %add3A : vector<1000x128xf32>
    %get3A_10 = arith.constant 0 : index
    %get3A_11 = arith.constant 0 : index
    %get3A_12 = vector.load %arg2[%get3A_10, %get3A_11] : memref<1000x1xf32, #tpu.memory_space<vmem>>, vector<1000x1xf32>
    %mul3A = vector.broadcast %get3A_12 : vector<1000x1xf32> to vector<1000x128xf32>
    %mul3A_13 = arith.mulf %add3A_9, %mul3A : vector<1000x128xf32>
    %swap3A = arith.constant 0 : index
    %swap3A_14 = arith.constant 0 : index
    %swap3A_15 = vector.load %arg5[%swap3A, %swap3A_14] : memref<1000x128xf32, #tpu.memory_space<vmem>>, vector<1000x128xf32>
    tpu.vector_store %arg5[%swap3A, %swap3A_14], %mul3A_13 {strides = array<i32>} : memref<1000x128xf32, #tpu.memory_space<vmem>>, vector<1000x128xf32>,
    return
  }
  func.func @transform_0(%arg0: i32) -> (i32, i32) {
    %c0_i32 = arith.constant 0 : i32
    %c0_i32_0 = arith.constant 0 : i32
    return %arg0, %c0_i32 : i32, i32
  }
  func.func @transform_1(%arg0: i32) -> (i32, i32) {
    %c0_i32 = arith.constant 0 : i32
    %c0_i32_0 = arith.constant 0 : i32
    return %arg0, %c0_i32 : i32, i32
  }
  func.func @transform_2(%arg0: i32) -> (i32, i32) {
    %c0_i32 = arith.constant 0 : i32
    %c0_i32_0 = arith.constant 0 : i32
    %c0_i32_1 = arith.constant 0 : i32
    return %c0_i32, %c0_i32_0 : i32, i32
  }
  func.func @transform_3(%arg0: i32) -> (i32, i32) {
    %c0_i32 = arith.constant 0 : i32
    %c0_i32_0 = arith.constant 0 : i32
    %c0_i32_1 = arith.constant 0 : i32
    return %c0_i32, %c0_i32_0 : i32, i32
  }
  func.func @transform_4(%arg0: i32) -> (i32, i32) {
    %c0_i32 = arith.constant 0 : i32
    %c0_i32_0 = arith.constant 0 : i32
    return %arg0, %c0_i32 : i32, i32
  }
}

module attributes {stable_mosaic.version = 14 : i64} {
  func.func @_comb_body(%arg0: i32, %arg1: memref<2x1000x128xf32, #tpu.memory_space<vmem>>, %arg2: memref<1000x1xf32, #tpu.memory_space<vmem>>, %arg3: memref<1000x128xf32, #tpu.memory_space<vmem>>) attributes {dimension_semantics = [#tpu.dimension_semantics<arbitrary>], iteration_bounds = array<i64: 10>, scalar_prefetch = 0 : i64, scratch_operands = 0 : i64, tpu.core_type = #tpu.core_type<tc>, window_params = [{transform_indices = @transform_0, window_bounds = array<i64: 2, 1000, 128>}, {transform_indices = @transform_1, window_bounds = array<i64: 1000, 1>}, {transform_indices = @transform_2, window_bounds = array<i64: 1000, 128>}]} {
    %get3A = arith.constant 0 : index
    %get3A_0 = arith.constant 0 : index
    %get3A_1 = arith.constant 0 : index
    %get3A_2 = vector.load %arg1[%get3A, %get3A_0, %get3A_1] : memref<2x1000x128xf32, #tpu.memory_space<vmem>>, vector<1x1000x128xf32>
    %get3A_3 = vector.shape_cast %get3A_2 : vector<1x1000x128xf32> to vector<1000x128xf32>
    %get3A_4 = arith.constant 1 : index
    %get3A_5 = arith.constant 0 : index
    %get3A_6 = arith.constant 0 : index
    %get3A_7 = vector.load %arg1[%get3A_4, %get3A_5, %get3A_6] : memref<2x1000x128xf32, #tpu.memory_space<vmem>>, vector<1x1000x128xf32>
    %get3A_8 = vector.shape_cast %get3A_7 : vector<1x1000x128xf32> to vector<1000x128xf32>
    %add3A = arith.addf %get3A_3, %get3A_8 : vector<1000x128xf32>
    %get3A_9 = arith.constant 0 : index
    %get3A_10 = arith.constant 0 : index
    %get3A_11 = vector.load %arg2[%get3A_9, %get3A_10] : memref<1000x1xf32, #tpu.memory_space<vmem>>, vector<1000x1xf32>
    %mul3A = vector.broadcast %get3A_11 : vector<1000x1xf32> to vector<1000x128xf32>
    %mul3A_12 = arith.mulf %add3A, %mul3A : vector<1000x128xf32>
    %swap3A = arith.constant 0 : index
    %swap3A_13 = arith.constant 0 : index
    %swap3A_14 = vector.load %arg3[%swap3A, %swap3A_13] : memref<1000x128xf32, #tpu.memory_space<vmem>>, vector<1000x128xf32>
    tpu.vector_store %arg3[%swap3A, %swap3A_13], %mul3A_12 {strides = array<i32>} : memref<1000x128xf32, #tpu.memory_space<vmem>>, vector<1000x128xf32>,
    return
  }
  func.func @transform_0(%arg0: i32) -> (i32, i32, i32) {
    %c0_i32 = arith.constant 0 : i32
    %c0_i32_0 = arith.constant 0 : i32
    %c0_i32_1 = arith.constant 0 : i32
    return %c0_i32, %arg0, %c0_i32_0 : i32, i32, i32
  }
  func.func @transform_1(%arg0: i32) -> (i32, i32) {
    %c0_i32 = arith.constant 0 : i32
    %c0_i32_0 = arith.constant 0 : i32
    return %arg0, %c0_i32 : i32, i32
  }
  func.func @transform_2(%arg0: i32) -> (i32, i32) {
    %c0_i32 = arith.constant 0 : i32
    %c0_i32_0 = arith.constant 0 : i32
    return %arg0, %c0_i32 : i32, i32
  }
}

</mosaic_0001>

<sc_bundles>
// kernel: kernel.5.cloned.1.call-start
scs
__scs_entry_jumppad:
0x0: {  	(pc) =	sbr.rel $0x88, $3  }
0x1: {  	(tag) =	ssettag $0x0;
	lr =	simm.s32 $0x1  }
0x2: {  	[smem:$0x3F9C] =	sst lr;
	_ =	strace $0xD0000000  }
0x3: {  	_ = 	snop  }
0x4: {  	_ = 	snop  }
0x5: {  	_ = 	snop  }
0x6: {  	_ = 	snop  }
0x7: {  	_ = 	snop  }
__scs_overlays_trampoline_lowered:
0x8: {  	[smem:$0x3FAB] =	sst s0  }
0x9: {  	[smem:$0x3FAC] =	sst s1  }
0xa: {  	[smem:$0x3FAD] =	sst s2  }
0xb: {  	[smem:$0x3FAE] =	sst s3  }
0xc: {  	[smem:$0x3FAF] =	sst s4  }
0xd: {  	[smem:$0x3FB0] =	sst s5  }
0xe: {  	[smem:$0x3FB1] =	sst s6  }
0xf: {  	[smem:$0x3FB2] =	sst s7  }
0x10: {  	[smem:$0x3FB3] =	sst s8  }
0x11: {  	[smem:$0x3FB4] =	sst s9;
	s0 =	simm.s32 @!p0 $0x0  }
0x12: {  	s1 =	sld [smem:$0x3F9A];
	s0 =	simm.s32 @p0 $0x1  }
0x13: {  	[smem:$0x3FB5] =	sst s0;
	s0 =	simm.s32 @!p1 $0x0  }
0x14: {  	s2 =	sld [smem:$0x3F99];
	s0 =	simm.s32 @p1 $0x1  }
0x15: {  	[smem:$0x3FB6] =	sst s0;
	s0 =	simm.s32 @!p2 $0x0  }
0x16: {  	s3 =	sld [smem:$0x3FDB];
	s0 =	simm.s32 @p2 $0x1  }
0x17: {  	s4 =	simm.s32 $0x1BF5;
	[smem:$0x3FB8] =	sst s0  }
0x18: {  	s0 =	sld [smem:$0x3F9B];
	_ =	swait.ge [sflag:s4], $0x0  }
0x19: {  	s7 =	sld [smem:$0x3F9C]  }
0x1a: {  	s8 =	sadd.s32 $0xFFFFE003, lr  }
0x1b: {  	s9 =	sadd.s32 $0xFFFFFEF7, lr;
	s5 =	simm.s32 $0xFFFFFFFF;
	p2 =	slt.u32 s8, $0xFFFFF086  }
0x1c: {  	p1 =	slt.u32 s9, $0xF7A;
	s5 =	simm.s32 @!p2 $0x0  }
0x1d: {  	s5 =	simm.s32 @p1 $0x1;
	p0 =	seq.s32 s7, s2  }
0x1e: {  	s7 =	smul.u32 @!p0 $0xF7A, s2;
	p2 =	seq.s32 @!p0 s5, $0x0  }
0x1f: {  	s9 =	smul.u32 $0xF7A, s1;
	s8 =	simm.s32 @!p0 $0x1BF5;
	p2 =	por !p2, p0  }
0x20: {  	[sflag:s8] =	ssyncset.s32 @!p0 $0xFFFFF086;
	s6 =	sadd.s32 @!p0 s3, s7;
	s7 =	simm.s32 @!p0 $0x108  }
0x21: {  	s3 =	sadd.s32 s3, s9;
	s6 =	sadd.s32 @!p0 $0x88, s6;
	s7 =	simm.s32 @p2 $0x1082  }
0x22: {  	[simem:s7], [sflag:s8] =	dma.local @!p0 [hbm:s6], $0xF7A  }
0x23: {  	s9 =	sor.u32 $0xD0000000, s2;
	s6 =	simm.s32 $0x108;
	_ =	swait.ge @!p0 [sflag:s8], $0x0  }
0x24: {  	s3 =	sadd.s32 $0x88, s3;
	s6 =	simm.s32 @!p1 $0x1082;
	[sflag:s4] =	ssyncset.s32 $0xFFFFF086  }
0x25: {  	[simem:s6], [sflag:s4] =	dma.local [hbm:s3], $0xF7A  }
0x26: {  	[smem:$0x3F9C] =	sst s1;
	(tag) =	ssettag s2;
	_ =	strace s9  }
0x27: {  	s1 =	sld [smem:$0x3FAC]  }
0x28: {  	s2 =	sld [smem:$0x3FAD]  }
0x29: {  	s4 =	sld [smem:$0x3FAF]  }
0x2a: {  	p0 =	seq.s32 s5, $0x0;
	s5 =	sld [smem:$0x3FB0]  }
0x2b: {  	s6 =	sld [smem:$0x3FB1]  }
0x2c: {  	s7 =	sld [smem:$0x3FB2]  }
0x2d: {  	s3 =	simm.s32 $0x108;
	s8 =	sld [smem:$0x3FB3]  }
0x2e: {  	s3 =	simm.s32 @!p0 $0x1082;
	s9 =	sld [smem:$0x3FB4]  }
0x2f: {  	lr =	sadd.s32 s0, s3;
	s0 =	sld [smem:$0x3FAB]  }
0x30: {  	s3 =	sld [smem:$0x3FAE]  }
0x31: {  	[smem:$0x3FB7] =	sst s10  }
0x32: {  	s10 =	sld [smem:$0x3FB5];
	_ =	sdelay $0x3  }
0x33: {  	p0 =	seq.s32 s10, $0x1;
	s10 =	sld [smem:$0x3FB7];
	_ =	sdelay $0x3  }
0x34: {  	[smem:$0x3FB7] =	sst s10  }
0x35: {  	s10 =	sld [smem:$0x3FB6];
	_ =	sdelay $0x3  }
0x36: {  	p1 =	seq.s32 s10, $0x1;
	s10 =	sld [smem:$0x3FB7];
	_ =	sdelay $0x3  }
0x37: {  	[smem:$0x3FB7] =	sst s10  }
0x38: {  	s10 =	sld [smem:$0x3FB8]  }
0x39: {  	_ = 	snop;
	(pc) =	sbr.ind lr, $3  }
0x3a: {  	_ = 	snop  }
0x3b: {  	_ = 	snop  }
0x3c: {  	p2 =	seq.s32 s10, $0x1;
	s10 =	sld [smem:$0x3FB7]  }
0x3d: {  	_ =	shalt  }
0x3e: {  	_ =	shalt  }
0x3f: {  	_ =	shalt  }
0x40: {  	_ =	shalt  }
0x41: {  	_ =	shalt  }
0x42: {  	_ =	shalt  }
0x43: {  	_ =	shalt  }
0x44: {  	_ =	shalt  }
0x45: {  	_ =	shalt  }
0x46: {  	_ =	shalt  }
0x47: {  	_ =	shalt  }
0x48: {  	_ =	shalt  }
0x49: {  	_ =	shalt  }
0x4a: {  	_ =	shalt  }
0x4b: {  	_ =	shalt  }
0x4c: {  	_ =	shalt  }
0x4d: {  	_ =	shalt  }
0x4e: {  	_ =	shalt  }
0x4f: {  	_ =	shalt  }
0x50: {  	_ =	shalt  }
0x51: {  	_ =	shalt  }
0x52: {  	_ =	shalt  }
0x53: {  	_ =	shalt  }
0x54: {  	_ =	shalt  }
0x55: {  	_ =	shalt  }
0x56: {  	_ =	shalt  }
0x57: {  	_ =	shalt  }
0x58: {  	_ =	shalt  }
0x59: {  	_ =	shalt  }
0x5a: {  	_ =	shalt  }
0x5b: {  	_ =	shalt  }
0x5c: {  	_ =	shalt  }
0x5d: {  	_ =	shalt  }
0x5e: {  	_ =	shalt  }
0x5f: {  	_ =	shalt  }
0x60: {  	_ =	shalt  }
0x61: {  	_ =	shalt  }
0x62: {  	_ =	shalt  }
0x63: {  	_ =	shalt  }
0x64: {  	_ =	shalt  }
0x65: {  	_ =	shalt  }
0x66: {  	_ =	shalt  }
0x67: {  	_ =	shalt  }
0x68: {  	_ =	shalt  }
0x69: {  	_ =	shalt  }
0x6a: {  	_ =	shalt  }
0x6b: {  	_ =	shalt  }
0x6c: {  	_ =	shalt  }
0x6d: {  	_ =	shalt  }
0x6e: {  	_ =	shalt  }
0x6f: {  	_ =	shalt  }
0x70: {  	_ =	shalt  }
0x71: {  	_ =	shalt  }
0x72: {  	_ =	shalt  }
0x73: {  	_ =	shalt  }
0x74: {  	_ =	shalt  }
0x75: {  	_ =	shalt  }
0x76: {  	_ =	shalt  }
0x77: {  	_ =	shalt  }
0x78: {  	_ =	shalt  }
0x79: {  	_ =	shalt  }
0x7a: {  	_ =	shalt  }
0x7b: {  	_ =	shalt  }
0x7c: {  	_ =	shalt  }
0x7d: {  	_ =	shalt  }
0x7e: {  	_ =	shalt  }
0x7f: {  	_ =	shalt  }
0x80: {  	_ =	shalt  }
0x81: {  	_ =	shalt  }
0x82: {  	_ =	shalt  }
0x83: {  	_ =	shalt  }
0x84: {  	_ =	shalt  }
0x85: {  	_ =	shalt  }
0x86: {  	_ =	shalt  }
0x87: {  	_ =	shalt  }
.Lfunc_end0:
.L_simem_size_0:
called_computation_lowered:
.L_overlay_start_0:
0x88: {  	s2 =	sld [smem:$0x3FD9]  }
0x89: {  	s3 =	sld [smem:$0x3FFE];
	_ =	sdelay $0x1  }
0x8a: {  	s1 =	srdreg.scid  }
0x8b: {  	s0 =	sand.u32 $0x1, s1  }
0x8c: {  	s17 =	sshll.u32 s0, $0xA;
	s2 =	sadd.s32 s3, s2  }
0x8d: {  	s2 =	sadd.s32 s2, s17  }
0x8e: {  	[smem:$0x3FC3] =	sst s2  }
0x8f: {  	_ = 	snop  }
0x90: {  	s2 =	sld [smem:$0x3FD0];
	(tm) =	ssettm $0x1  }
0x91: {  	s18 =	sld [smem:$0x3FFB];
	_ =	sdelay $0x3  }
0x92: {  	_ =	strace s18  }
0x93: {  	s3 =	sld [smem:$0x3FFC];
	_ =	sdelay $0x3  }
0x94: {  	_ =	strace s3  }
0x95: {  	s3 =	sld [smem:$0x3FFD];
	_ =	sdelay $0x3  }
0x96: {  	_ =	strace s3  }
0x97: {  	_ =	strace $0x8FFFFFFF  }
0x98: {  	s19 =	sld [smem:$0x3FDB];
	_ =	sdelay $0x1  }
0x99: {  	s4 =	simm.s32 $_scs_section_size  }
0x9a: {  	s5 =	simm.s32 $_size__tile_overlayer_lowered;
	s6 =	simm.s32 $_tile_overlayer_lowered  }
0x9b: {  	s22 =	simm.s32 $0x1BFF;
	s21 =	sshll.u32 s6, $0x1;
	s3 =	sadd.s32 s4, s19  }
0x9c: {  	s7 =	simm.s32 $0x0;
	s20 =	sshll.u32 s5, $0x1;
	s5 =	sadd.s32 s21, s3  }
0x9d: {  	[timem:s7], [sflag:s22] =	dma.local [hbm:s5], s20  }
0x9e: {  	_ =	swait.ge [sflag:s22], s20  }
0x9f: {  	s4 =	ssub.s32 $0x0, s20;
	[sflag:s22] =	ssyncset.done $0x0  }
0xa0: {  	[sflag:s22] =	ssyncadd.s32 s4;
	_ =	sdelay $0x1  }
0xa1: {  	s23 =	simm.s32 $0x1B8B  }
0xa2: {  	_ =	swait.ge [sflag:s23], $0x1  }
0xa3: {  	[sflag:s23] =	ssyncset.done $0x0  }
0xa4: {  	s25 =	simm.s32 $0x1B8E;
	s24 =	sld [smem:$0x3FFE];
	[sflag:s23] =	ssyncadd.s32 $0xFFFFFFFF  }
0xa5: {  	s26 =	simm.s32 $execute0_lowered;
	[smem:$0x3FD2] =	sst s25  }
0xa6: {  	s5 =	sshll.u32 s26, $0x1;
	_ =	strace $0x80000046;
	[dreg:$0x1] =	wrdreg $0xFFFFFFFF  }
0xa7: {  	s28 =	simm.s32 $_size_execute0_lowered;
	s3 =	sadd.s32 s3, s5;
	[dreg:$0x0] =	wrdreg $0x0  }
0xa8: {  	s5 =	sshll.u32 s28, $0x1;
	[dreg:$0x2] =	wrdreg s3  }
0xa9: {  	[dreg:$0x3] =	wrdreg s5  }
0xaa: {  	[dreg:$0x4] =	wrdreg $0xC0  }
0xab: {  	_ =	task [dreg:s7], $0x5FFFF  }
0xac: {  	[dreg:$0x1] =	wrdreg $0xFFFFFFFF  }
0xad: {  	[dreg:$0x0] =	wrdreg $0x60  }
0xae: {  	[dreg:$0x2] =	wrdreg s2  }
0xaf: {  	[dreg:$0x3] =	wrdreg s24  }
0xb0: {  	[dreg:$0x4] =	wrdreg $0x41000  }
0xb1: {  	[dreg:$0x5] =	wrdreg $0x9  }
0xb2: {  	_ =	task.clear_ibuf [dreg:s7], $0x6FFFF;
	_ =	strace $0x90000046  }
0xb3: {  	s29 =	simm.s32 $0x9;
	_ =	strace $0x80000048  }
0xb4: {  	_ =	swait.ge [sflag:s29], $0x1  }
0xb5: {  	[sflag:s29] =	ssyncadd.s32 $0xFFFFFFFF  }
0xb6: {  	_ =	strace $0x90000048  }
0xb7: {  	_ =	sfence  }
0xb8: {  	s30 =	sld [smem:$0x0];
	_ =	sdelay $0x2  }
0xb9: {  	s31 =	sshll.u32 s1, $0xD;
	s1 =	sshrl.u32 s1, $0x2  }
0xba: {  	s3 =	sand.u32 $0x4000, s31;
	s1 =	sadd.s32 s1, s30  }
0xbb: {  	s0 =	sor.u32 s3, s0;
	s1 =	sshll.u32 s1, $0x11  }
0xbc: {  	s0 =	sor.u32 s1, s0  }
0xbd: {  	s0 =	sadd.s32 $0x8F2B, s0  }
0xbe: {  	[sflag:s0] =	ssyncadd.remote.s32 $0x1  }
0xbf: {  	_ =	sfence.sel $0xFFFF  }
0xc0: {  	[dreg:$0x0] =	wrdreg $0xFFFFFFFF;
	(pc) =	sbr.abs _section_cstart, $3  }
0xc1: {  	[dreg:$0x1] =	wrdreg $0xFFFFFFFF  }
0xc2: {  	_ =	task.clear_ibuf [dreg:s7], $0x2FFFF;
	_ =	strace $0x9FFFFFFF  }
0xc3: {  	(tm) =	ssettm $0x7FFFFFFF  }
tec
execute0_lowered:
.L_overlay_start_1:
0x0: {  	(tag) =	ssettag $0x1  }
0x1: {  	s1 =	rddreg [dreg:$0x0]  }
0x2: {  	s6 =	rddreg [dreg:$0x1]  }
0x3: {  	s2 =	srdreg.scid;
	s0 =	stileid.u32  }
0x4: {  	s3 =	rddreg [dreg:$0x2];
	s4 =	simm.s32 $0x0;
	s17 =	simm.s32 $0x80  }
0x5: {  	s18 =	simm.s32 $0x100;
	s19 =	simm.s32 $0x1;
	s5 =	smul.u32 $0x5D, s0  }
0x6: {  	s7 =	sand.u32 $0x1, s2;
	s2 =	rddreg [dreg:$0x3];
	s11 =	smul.u32 $0x50000, s0  }
0x7: {  	s8 =	sshll.u32 s0, $0x6;
	[smem:$0x7FF] =	sst s4;
	s21 =	smul.u32 $0x2800, s0  }
0x8: {  	p0 =	seq.s32 s7, $0x0;
	s9 =	sadd.s32 $0x5D0, s8;
	s31 =	smul.u32 $0x28000, s7  }
0x9: {  	_ =	strace $0x80000047;
	s7 =	ssub.s32 $0x2, s7;
	s9 =	smov.u32 @p0 s5  }
0xa: {  	s12 =	sshrl.u32 s7, $0x1;
	s11 =	sshrl.u32 s11, $0x2;
	s5 =	sshll.u32 s9, $0x4  }
0xb: {  	s9 =	sadd.s32 s31, s6;
	s12 =	ssub.s32 s7, s12;
	s11 =	sadd.s32 s11, s3  }
0xc: {  	s7 =	sor.u32 $0x1C02, s8;
	s10 =	sadd.s32 s5, s6;
	s5 =	sadd.s32 $0x14A00, s6  }
0xd: {  	s6 =	simm.s32 $0x5D;
	s20 =	sadd.s32 $0x15200, s9;
	s8 =	smax.u32 s12, $0x1  }
0xe: {  	s13 =	sadd.s32 $0x4000, s11;
	s14 =	sadd.s32 $0x8000, s11;
	s15 =	sadd.s32 $0xC000, s11  }
0xf: {  	s16 =	sadd.s32 $0x10000, s11;
	s11 =	sshrl.u32 s11, $0x3;
	s12 =	simm.s32 $0x2  }
0x10: {  	s6 =	simm.s32 @!p0 $0x40;
	s9 =	sadd.s32 $0xE00, s10;
	s10 =	sadd.s32 $0xAC00, s10  }
0x11: {  	s13 =	sshrl.u32 s13, $0x3;
	s14 =	sshrl.u32 s14, $0x3;
	s15 =	sshrl.u32 s15, $0x3  }
0x12: {  	s16 =	sshrl.u32 s16, $0x3;
	s20 =	sadd.s32 s21, s20;
	s21 =	simm.s32 $0x0  }
.LBB2_1:
0x13: {  	[spmem:s11], [sflag:s7] =	dma.local [hbm:s5], $0x800  }
0x14: {  	_ =	swait.ge [sflag:s12], $0x800  }
0x15: {  	[sflag:s12] =	ssyncset.done $0x0  }
0x16: {  	[sflag:s12] =	ssyncadd.s32 $0xFFFFF800  }
0x17: {  	[spmem:s13], [sflag:s7] =	dma.local [hbm:s5], $0x800  }
0x18: {  	_ =	swait.ge [sflag:s12], $0x800  }
0x19: {  	[sflag:s12] =	ssyncset.done $0x0  }
0x1a: {  	[sflag:s12] =	ssyncadd.s32 $0xFFFFF800  }
0x1b: {  	[spmem:s14], [sflag:s7] =	dma.local [hbm:s5], $0x800  }
0x1c: {  	_ =	swait.ge [sflag:s12], $0x800  }
0x1d: {  	[sflag:s12] =	ssyncset.done $0x0  }
0x1e: {  	[sflag:s12] =	ssyncadd.s32 $0xFFFFF800  }
0x1f: {  	[spmem:s15], [sflag:s7] =	dma.local [hbm:s5], $0x800  }
0x20: {  	_ =	swait.ge [sflag:s12], $0x800  }
0x21: {  	[sflag:s12] =	ssyncset.done $0x0  }
0x22: {  	[sflag:s12] =	ssyncadd.s32 $0xFFFFF800  }
0x23: {  	[spmem:s16], [sflag:s7] =	dma.local [hbm:s5], $0x800  }
0x24: {  	_ =	swait.ge [sflag:s12], $0x800  }
0x25: {  	[sflag:s12] =	ssyncset.done $0x0  }
0x26: {  	[sflag:s12] =	ssyncadd.s32 $0xFFFFF800  }
0x27: {  	[bflag:$0x0] =	sbarrier.arrive $0xFFFF  }
0x28: {  	[tilespmem:s4], [sflag:$0x2] =	stream.linear.gather [hbm4b:s10+s4], $0x80, $0x38;
	[tilespmem:$0x18100] =	vst v63  }
0x29: {  	_ =	swait.ge [sflag:s12], $0x80  }
0x2a: {  	[sflag:s12] =	ssyncset.done $0x0  }
0x2b: {  	[sflag:s12] =	ssyncadd.s32 $0xFFFFFF80  }
0x2c: {  	[tilespmem:s17], [sflag:$0x2] =	stream.linear.gather [hbm4b:s9+s4], $0x80, $0x38;
	[tilespmem:$0x18100] =	vst v63  }
0x2d: {  	_ =	swait.ge [sflag:s12], $0x80  }
0x2e: {  	[sflag:s12] =	ssyncset.done $0x0  }
0x2f: {  	[sflag:s12] =	ssyncadd.s32 $0xFFFFFF80  }
0x30: {  	[tilespmem:s18], [sflag:$0x1] =	stream.indirect.gather [hbm4b:s1+s17], $0x80, s4, s17, $0xb8;
	[tilespmem:$0x18100] =	vst v63  }
0x31: {  	p0 =	sne.s32 s6, $0x1;
	_ =	swait.ge [sflag:s19], $0x4000  }
.Ltmp0:
0x32: {  	[sflag:s19] =	ssyncset.done $0x0;
	(pc) =	sbr.rel @!p0 .LBB2_3-.Ltmp0, $4  }
0x33: {  	[sflag:s19] =	ssyncadd.s32 $0xFFFFC000  }
0x34: {  	[spmem:s3] =	stream.indirect.scatter.add.f32 [tilespmem:s18], [sflag:$0x2], $0x80, s17, s17, $0xb8;
	[tilespmem:$0x18100] =	vst v63  }
0x35: {  	s22 =	sadd.s32 $0xFFFFFFFF, s6;
	_ =	swait.ge [sflag:s12], $0x4000  }
0x36: {  	s23 =	smov.u32 s9;
	s24 =	smov.u32 s10;
	[sflag:s12] =	ssyncset.done $0x0  }
.LBB2_2:
0x37: {  	[sflag:s12] =	ssyncadd.s32 $0xFFFFC000;
	s23 =	sadd.s32 $0x10, s23;
	s24 =	sadd.s32 $0x10, s24  }
0x38: {  	[tilespmem:s4], [sflag:$0x2] =	stream.linear.gather [hbm4b:s24+s4], $0x80, $0x38;
	[tilespmem:$0x18100] =	vst v63  }
0x39: {  	p0 =	sne.s32 s22, $0x1;
	s22 =	sadd.s32 $0xFFFFFFFF, s22;
	_ =	swait.ge [sflag:s12], $0x80  }
0x3a: {  	[sflag:s12] =	ssyncset.done $0x0  }
0x3b: {  	[sflag:s12] =	ssyncadd.s32 $0xFFFFFF80  }
0x3c: {  	[tilespmem:s17], [sflag:$0x2] =	stream.linear.gather [hbm4b:s23+s4], $0x80, $0x38;
	[tilespmem:$0x18100] =	vst v63  }
0x3d: {  	_ =	swait.ge [sflag:s12], $0x80  }
0x3e: {  	[sflag:s12] =	ssyncset.done $0x0  }
0x3f: {  	[sflag:s12] =	ssyncadd.s32 $0xFFFFFF80  }
0x40: {  	[tilespmem:s18], [sflag:$0x1] =	stream.indirect.gather [hbm4b:s1+s17], $0x80, s4, s17, $0xb8;
	[tilespmem:$0x18100] =	vst v63  }
0x41: {  	_ =	swait.ge [sflag:s19], $0x4000  }
.Ltmp1:
0x42: {  	[sflag:s19] =	ssyncset.done $0x0;
	(pc) =	sbr.rel @p0 .LBB2_2-.Ltmp1, $4  }
0x43: {  	[sflag:s19] =	ssyncadd.s32 $0xFFFFC000  }
0x44: {  	[spmem:s3] =	stream.indirect.scatter.add.f32 [tilespmem:s18], [sflag:$0x2], $0x80, s17, s17, $0xb8;
	[tilespmem:$0x18100] =	vst v63  }
0x45: {  	_ =	swait.ge [sflag:s12], $0x4000  }
0x46: {  	[sflag:s12] =	ssyncset.done $0x0  }
.LBB2_3:
0x47: {  	s21 =	sadd.s32 $0x1, s21  }
0x48: {  	[sflag:s12] =	ssyncadd.s32 $0xFFFFC000;
	p0 =	sne.s32 s21, s8  }
.Ltmp2:
0x49: {  	[bflag:$0x0] =	sbarrier.arrive $0xFFFF;
	(pc) =	sbr.rel @p0 .LBB2_1-.Ltmp2, $4  }
0x4a: {  	[hbm:s20], [sflag:s7] =	dma.local [spmem:s11], $0x2800  }
0x4b: {  	_ =	swait.ge [sflag:s12], $0x2800  }
0x4c: {  	[sflag:s12] =	ssyncset.done $0x0  }
0x4d: {  	[sflag:s12] =	ssyncadd.s32 $0xFFFFD800  }
0x4e: {  	_ =	sfence.sel $0x180000  }
0x4f: {  	[bflag:$0x0] =	sbarrier.arrive $0xFFFF  }
0x50: {  	p0 =	sne.s32 s0, $0x0;
	_ =	strace $0x90000047  }
0x51: {  	s0 =	sadd.s32 @!p0 $0x100000, s2;
	[bflag:$0x2] =	sbarrier.arrive $0xFFFF  }
0x52: {  	[sflag:s0] =	ssyncadd.tile.s32 @!p0 $0x1;
	_ =	shalt  }
.Lfunc_end2:
_tile_overlayer_lowered:
.L_overlay_start_2:
0x53: {  	(tag) =	ssettag $0x2  }
0x54: {  	s0 =	rddreg [dreg:$0x0];
	s2 =	stileid.u32  }
0x55: {  	s1 =	rddreg [dreg:$0x1];
	p0 =	sne.s32 s2, $0x0  }
0x56: {  	s3 =	rddreg [dreg:$0x2];
	[bflag:$0x3] =	sbarrier.arrive $0xFFFF;
	s2 =	simm.s32 @!p0 $0x1C02  }
0x57: {  	[timem:s3], [sflag:s2] =	dma.local @!p0 [hbm:s0], s1  }
0x58: {  	s0 =	simm.s32 @!p0 $0x2  }
0x59: {  	_ =	swait.ge @!p0 [sflag:s0], s1  }
0x5a: {  	s1 =	ssub.s32 @!p0 $0x0, s1;
	[sflag:s0] =	ssyncset.done @!p0 $0x0  }
0x5b: {  	[sflag:s0] =	ssyncadd.s32 @!p0 s1  }
0x5c: {  	[bflag:$0x3] =	sbarrier.arrive $0xFFFF  }
0x5d: {  	_ =	shalt  }

</sc_bundles>
